<compile_context>
chip_gen: v7x
topology: tpu7x:2x2x1
jax: 0.10.2.dev20260603
libtpu: 0.0.44.dev20260713+nightly
codegen_flags: <defaults>
</compile_context>

<pallas_src>
import functools

import jax
import jax.numpy as jnp
from jax import lax
from jax.experimental import pallas as pl
from jax.experimental.pallas import tpu as pltpu
from jax.experimental.pallas import tpu_sc as plsc

B, N, K, C, S = 2, 2048, 16, 256, 8
CS = C // S
P = B * N
E = B * N * K
TW = 2 * C
NC, NS = 2, 16
NW = NC * NS
EPW = E // NW
G = 64
NCHUNK = EPW // G

_dot = functools.partial(
    lax.dot_general,
    dimension_numbers=(((1,), (0,)), ((), ())),
    preferred_element_type=jnp.float32,
)



def _tables_body(x_ref, p_ref, w1a_ref, b1a_ref, s1_ref, be1_ref, w1b_ref,
                 b1b_ref, wfc_ref, bfc_ref, ta_ref, ts_ref):
    h = _dot(p_ref[...], w1a_ref[...]) + b1a_ref[...]
    h = jnp.maximum(h * s1_ref[...] + be1_ref[...], 0.0)
    pf = _dot(h, w1b_ref[...]) + b1b_ref[...]
    qkv = _dot(x_ref[...], wfc_ref[...]) + bfc_ref[...]
    q = qkv[:, :C]
    k = qkv[:, C:2 * C]
    v = qkv[:, 2 * C:]
    ta_ref[...] = jnp.concatenate([q + pf, pf], axis=1)
    ts_ref[...] = jnp.concatenate([-(k + pf), v - pf], axis=1)


def _build_tables(x2, p2, w1a, b1a, s1, be1, w1b, b1b, wfc, bfc):
    rows = 512
    grid = (P // rows,)
    full = lambda shape: pl.BlockSpec(shape, lambda i: (0, 0))
    return pl.pallas_call(
        _tables_body,
        grid=grid,
        in_specs=[
            pl.BlockSpec((rows, C), lambda i: (i, 0)),
            pl.BlockSpec((rows, 8), lambda i: (i, 0)),
            full((8, 8)), full((1, 8)), full((1, 8)), full((1, 8)),
            full((8, C)), full((1, C)),
            full((C, 3 * C)), full((1, 3 * C)),
        ],
        out_specs=[
            pl.BlockSpec((rows, TW), lambda i: (i, 0)),
            pl.BlockSpec((rows, TW), lambda i: (i, 0)),
        ],
        out_shape=[
            jax.ShapeDtypeStruct((P, TW), jnp.float32),
            jax.ShapeDtypeStruct((P, TW), jnp.float32),
        ],
    )(x2, p2, w1a, b1a, s1, be1, w1b, b1b, wfc, bfc)



def _sc_gather_body(ta_hbm, ts_hbm, tid_hbm, sid_hbm, ga_hbm, gs_hbm,
                    tid_v, sid_v, buf_a, buf_b, sem_a, sem_b):
    wid = lax.axis_index("s") * NC + lax.axis_index("c")
    base = wid * EPW
    pltpu.sync_copy(tid_hbm.at[pl.ds(base, EPW)], tid_v)
    pltpu.sync_copy(sid_hbm.at[pl.ds(base, EPW)], sid_v)

    def body(g, carry):
        off = base + g * G
        cp_a = pltpu.async_copy(
            ta_hbm.at[tid_v.at[pl.ds(g * G, G)]], buf_a, sem_a)
        cp_b = pltpu.async_copy(
            ts_hbm.at[sid_v.at[pl.ds(g * G, G)]], buf_b, sem_b)
        cp_a.wait()
        pltpu.sync_copy(buf_a, ga_hbm.at[pl.ds(off, G)])
        cp_b.wait()
        pltpu.sync_copy(buf_b, gs_hbm.at[pl.ds(off, G)])
        return carry

    lax.fori_loop(0, NCHUNK, body, 0)


def _sc_gather(ta, ts, tid, sid):
    mesh = plsc.VectorSubcoreMesh(
        core_axis_name="c", subcore_axis_name="s",
        num_cores=NC, num_subcores=NS)
    fn = pl.kernel(
        _sc_gather_body,
        out_type=[
            jax.ShapeDtypeStruct((E, TW), jnp.float32),
            jax.ShapeDtypeStruct((E, TW), jnp.float32),
        ],
        mesh=mesh,
        scratch_types=[
            pltpu.VMEM((EPW,), jnp.int32),
            pltpu.VMEM((EPW,), jnp.int32),
            pltpu.VMEM((G, TW), jnp.float32),
            pltpu.VMEM((G, TW), jnp.float32),
            pltpu.SemaphoreType.DMA,
            pltpu.SemaphoreType.DMA,
        ],
    )
    return fn(ta, ts, tid, sid)



def _mlp_body(ga_ref, gs_ref, sa_ref, bea_ref, w2a_ref, b2a_ref, sb_ref,
              beb_ref, w2b_ref, b2b_ref, emat_ref, out_ref):
    rows = out_ref.shape[0]
    w = ga_ref[...] + gs_ref[...]
    d = w[:, :C]
    v2 = w[:, C:]
    t = jnp.maximum(d * sa_ref[...] + bea_ref[...], 0.0)
    l1 = _dot(t, w2a_ref[...]) + b2a_ref[...]
    t2 = jnp.maximum(l1 * sb_ref[...] + beb_ref[...], 0.0)
    lg = _dot(t2, w2b_ref[...]) + b2b_ref[...]
    lg3 = lg.reshape(rows, K, CS)
    m = jnp.max(lg3, axis=1, keepdims=True)
    ex = jnp.exp(lg3 - m)
    den = jnp.sum(ex, axis=1, keepdims=True)
    a2 = (ex / den).reshape(rows * K, CS)
    exp_a = _dot(a2, emat_ref[...])
    out_ref[...] = jnp.sum((exp_a * v2).reshape(rows, K, C), axis=1)


def _mlp_reduce(ga, gs, sa, bea, w2a, b2a, sb, beb, w2b, b2b, emat):
    rows = 64
    eb = rows * K
    grid = (P // rows,)
    full = lambda shape: pl.BlockSpec(shape, lambda i: (0, 0))
    return pl.pallas_call(
        _mlp_body,
        grid=grid,
        in_specs=[
            pl.BlockSpec((eb, TW), lambda i: (i, 0)),
            pl.BlockSpec((eb, TW), lambda i: (i, 0)),
            full((1, C)), full((1, C)),
            full((C, CS)), full((1, CS)),
            full((1, CS)), full((1, CS)),
            full((CS, CS)), full((1, CS)),
            full((CS, C)),
        ],
        out_specs=pl.BlockSpec((rows, C), lambda i: (i, 0)),
        out_shape=jax.ShapeDtypeStruct((P, C), jnp.float32),
    )(ga, gs, sa, bea, w2a, b2a, sb, beb, w2b, b2b, emat)



def kernel(x, p, sid_euc, tid_euc, W1a, b1a, g1, be1, W1b, b1b, Wfc, bfc,
           g2a, be2a, W2a, b2a, g2b, be2b, W2b, b2b):
    inv = 1.0 / jnp.sqrt(jnp.float32(1.0 + 1e-5))
    x2 = x.reshape(P, C)
    p2 = jnp.pad(p.reshape(P, 3), ((0, 0), (0, 5)))
    w1a = jnp.pad(W1a, ((0, 5), (0, 5)))
    w1b = jnp.pad(W1b, ((0, 5), (0, 0)))
    b1a8 = jnp.pad(b1a, (0, 5)).reshape(1, 8)
    s1 = (jnp.pad(g1, (0, 5)) * inv).reshape(1, 8)
    be18 = jnp.pad(be1, (0, 5)).reshape(1, 8)

    ta, ts = _build_tables(
        x2, p2, w1a, b1a8, s1, be18, w1b, b1b.reshape(1, C),
        Wfc, bfc.reshape(1, 3 * C))

    tid = tid_euc.reshape(E).astype(jnp.int32)
    sid = sid_euc.reshape(E).astype(jnp.int32)
    ga, gs = _sc_gather(ta, ts, tid, sid)

    emat = jnp.repeat(jnp.eye(CS, dtype=jnp.float32), S, axis=1)
    out = _mlp_reduce(
        ga, gs,
        (g2a * inv).reshape(1, C), be2a.reshape(1, C),
        W2a, b2a.reshape(1, CS),
        (g2b * inv).reshape(1, CS), be2b.reshape(1, CS),
        W2b, b2b.reshape(1, CS), emat)
    return out.reshape(B, N, C)

# --- scband reference (transcript-rebuilt; emitter-appended) ---
"""Pipeline reference for scband-point-transformer-7645041787056 (READ-ONLY COPY).

The authoritative reference and input builder live on the scoring server;
editing this copy changes nothing except your own understanding.
"""

import jax, jax.numpy as jnp
import numpy as np

B, N, K, C, S = 2, 2048, 16, 256, 8
CS = C // S


def _bn(x, g, b, eps=1e-5):
    # eval-mode BatchNorm with running_mean=0, running_var=1 (fresh model buffers)
    return x / jnp.sqrt(1.0 + eps) * g + b


def setup_inputs(seed: int = 0) -> dict:
    key = jax.random.key(seed)
    ks = [jax.random.fold_in(key, i) for i in range(16)]
    def w(k, shape, scale=0.05):
        return jax.random.normal(k, shape, dtype=jnp.float32) * scale
    inp = {}
    inp["x"] = jax.random.normal(ks[0], (B, N, C), dtype=jnp.float32)
    inp["p"] = jax.random.normal(ks[1], (B, N, 3), dtype=jnp.float32)
    inp["sid_euc"] = jax.random.randint(ks[2], (B * N, K), 0, B * N, dtype=jnp.int64 if jax.config.jax_enable_x64 else jnp.int32)
    inp["tid_euc"] = jax.random.randint(ks[3], (B * N, K), 0, B * N, dtype=jnp.int64 if jax.config.jax_enable_x64 else jnp.int32)
    # mlp1: Linear(3,3) + BN(3) + ReLU + Linear(3,C)
    inp["W1a"] = w(ks[4], (3, 3)); inp["b1a"] = jnp.zeros((3,), jnp.float32)
    inp["g1"] = jnp.ones((3,), jnp.float32); inp["be1"] = jnp.zeros((3,), jnp.float32)
    inp["W1b"] = w(ks[5], (3, C)); inp["b1b"] = jnp.zeros((C,), jnp.float32)
    # fc: Linear(C, 3C)
    inp["Wfc"] = w(ks[6], (C, 3 * C)); inp["bfc"] = jnp.zeros((3 * C,), jnp.float32)
    # mlp2 (first_linear=False): BN(C)+ReLU, Linear(C,C//S)+BN+ReLU, Linear(C//S,C//S)
    inp["g2a"] = jnp.ones((C,), jnp.float32); inp["be2a"] = jnp.zeros((C,), jnp.float32)
    inp["W2a"] = w(ks[7], (C, CS)); inp["b2a"] = jnp.zeros((CS,), jnp.float32)
    inp["g2b"] = jnp.ones((CS,), jnp.float32); inp["be2b"] = jnp.zeros((CS,), jnp.float32)
    inp["W2b"] = w(ks[8], (CS, CS)); inp["b2b"] = jnp.zeros((CS,), jnp.float32)
    return inp


def reference(x, p, sid_euc, tid_euc, W1a, b1a, g1, be1, W1b, b1b, Wfc, bfc, g2a, be2a, W2a, b2a, g2b, be2b, W2b, b2b):
    # mlp1 on positions
    h = p @ W1a + b1a
    h = jax.nn.relu(_bn(h, g1, be1))
    p_feat = h @ W1b + b1b                       # (B, N, C)
    # fc -> q, k, v
    qkv = x @ Wfc + bfc                          # (B, N, 3C)
    q, k, v = jnp.split(qkv, 3, axis=-1)
    p_flat = p_feat.reshape(B * N, C)
    p_i = jnp.take(p_flat, tid_euc, axis=0)      # (B*N, K, C) gather
    p_j = jnp.take(p_flat, sid_euc, axis=0)
    pd = (p_i - p_j).reshape(B, N, K, C)
    q_g = jnp.take(q.reshape(B * N, C), tid_euc, axis=0).reshape(B, N, K, C)
    k_g = jnp.take(k.reshape(B * N, C), sid_euc, axis=0).reshape(B, N, K, C)
    v_g = jnp.take(v.reshape(B * N, C), sid_euc, axis=0).reshape(B, N, K, C)
    # mlp2 on (q - k + p): BN+ReLU, Linear, BN+ReLU, Linear
    t = jax.nn.relu(_bn(q_g - k_g + pd, g2a, be2a))
    t = t @ W2a + b2a                            # (B, N, K, C//S)
    t = jax.nn.relu(_bn(t, g2b, be2b))
    a = t @ W2b + b2b                            # (B, N, K, C//S)
    a = jax.nn.softmax(a, axis=2)
    v2 = (v_g + pd).reshape(B, N, K, CS, S)
    out = (a[..., None] * v2).sum(axis=2).reshape(B, N, C)
    return out

if __name__ == "__main__":
    import jax
    _d = setup_inputs()
    print(jax.jit(kernel)(*tuple(_d.values())))

</pallas_src>

<mosaic_0001>
#map = affine_map<(d0, d1) -> (0, 0)>
#map1 = affine_map<(d0, d1) -> (0)>
module attributes {stable_mosaic.version = 14 : i64} {
  func.func @_sc_gather_body(%arg0: i32, %arg1: i32, %arg2: memref<4096x512xf32, #tpu.memory_space<hbm>>, %arg3: memref<4096x512xf32, #tpu.memory_space<hbm>>, %arg4: memref<65536xi32, #tpu.memory_space<hbm>>, %arg5: memref<65536xi32, #tpu.memory_space<hbm>>, %arg6: memref<65536x512xf32, #tpu.memory_space<hbm>>, %arg7: memref<65536x512xf32, #tpu.memory_space<hbm>>, %arg8: memref<2048xi32, #tpu.memory_space<vmem>>, %arg9: memref<2048xi32, #tpu.memory_space<vmem>>, %arg10: memref<64x512xf32, #tpu.memory_space<vmem>>, %arg11: memref<64x512xf32, #tpu.memory_space<vmem>>, %arg12: memref<!tpu.dma_semaphore, #tpu.memory_space<semaphore_mem>>, %arg13: memref<!tpu.dma_semaphore, #tpu.memory_space<semaphore_mem>>) attributes {dimension_semantics = [#tpu.dimension_semantics<core_parallel>, #tpu.dimension_semantics<subcore_parallel>], iteration_bounds = array<i64: 2, 16>, scalar_prefetch = 0 : i64, scratch_operands = 6 : i64, tpu.core_type = #tpu.core_type<sc_vector_subcore>, window_params = [{transform_indices = #map}, {transform_indices = #map}, {transform_indices = #map1}, {transform_indices = #map1}, {transform_indices = #map}, {transform_indices = #map}]} {
    %mul3A = arith.constant 2 : i32
    %mul3A_0 = arith.muli %arg1, %mul3A : i32
    %add3A = arith.addi %mul3A_0, %arg0 : i32
    %mul3A_1 = arith.constant 2048 : i32
    %mul3A_2 = arith.muli %add3A, %mul3A_1 : i32
    "tpu.region"() ({
      %run_scoped3A = tpu.sem_alloc : memref<!tpu.dma_semaphore, #tpu.memory_space<semaphore_mem>>
      %dma_start3A = tpu.memref_slice %arg4[%mul3A_2] : memref<65536xi32, #tpu.memory_space<hbm>> -> memref<2048xi32, #tpu.memory_space<hbm>>
      %dma_start3A_8 = tpu.memref_slice %arg4[%mul3A_2] : memref<65536xi32, #tpu.memory_space<hbm>> -> memref<2048xi32, #tpu.memory_space<hbm>>
      tpu.enqueue_dma source(%dma_start3A_8 : memref<2048xi32, #tpu.memory_space<hbm>>) target(%arg8 : memref<2048xi32, #tpu.memory_space<vmem>>) target_semaphore(%run_scoped3A : memref<!tpu.dma_semaphore, #tpu.memory_space<semaphore_mem>>)
      %dma_wait3A = tpu.memref_slice %arg4[%mul3A_2] : memref<65536xi32, #tpu.memory_space<hbm>> -> memref<2048xi32, #tpu.memory_space<hbm>>
      %dma_wait3A_9 = tpu.memref_slice %arg4[%mul3A_2] : memref<65536xi32, #tpu.memory_space<hbm>> -> memref<2048xi32, #tpu.memory_space<hbm>>
      tpu.wait_dma2 semaphore(%run_scoped3A : memref<!tpu.dma_semaphore, #tpu.memory_space<semaphore_mem>>) src(%dma_wait3A_9 : memref<2048xi32, #tpu.memory_space<hbm>>) dst(%arg8 : memref<2048xi32, #tpu.memory_space<vmem>>)
      tpu.yield
    }) : () -> ()
    "tpu.region"() ({
      %run_scoped3A = tpu.sem_alloc : memref<!tpu.dma_semaphore, #tpu.memory_space<semaphore_mem>>
      %dma_start3A = tpu.memref_slice %arg5[%mul3A_2] : memref<65536xi32, #tpu.memory_space<hbm>> -> memref<2048xi32, #tpu.memory_space<hbm>>
      %dma_start3A_8 = tpu.memref_slice %arg5[%mul3A_2] : memref<65536xi32, #tpu.memory_space<hbm>> -> memref<2048xi32, #tpu.memory_space<hbm>>
      tpu.enqueue_dma source(%dma_start3A_8 : memref<2048xi32, #tpu.memory_space<hbm>>) target(%arg9 : memref<2048xi32, #tpu.memory_space<vmem>>) target_semaphore(%run_scoped3A : memref<!tpu.dma_semaphore, #tpu.memory_space<semaphore_mem>>)
      %dma_wait3A = tpu.memref_slice %arg5[%mul3A_2] : memref<65536xi32, #tpu.memory_space<hbm>> -> memref<2048xi32, #tpu.memory_space<hbm>>
      %dma_wait3A_9 = tpu.memref_slice %arg5[%mul3A_2] : memref<65536xi32, #tpu.memory_space<hbm>> -> memref<2048xi32, #tpu.memory_space<hbm>>
      tpu.wait_dma2 semaphore(%run_scoped3A : memref<!tpu.dma_semaphore, #tpu.memory_space<semaphore_mem>>) src(%dma_wait3A_9 : memref<2048xi32, #tpu.memory_space<hbm>>) dst(%arg9 : memref<2048xi32, #tpu.memory_space<vmem>>)
      tpu.yield
    }) : () -> ()
    %scan3A = arith.constant 0 : i32
    %scan3A_3 = arith.constant 0 : i32
    %scan3A_4 = arith.constant 32 : i32
    %scan3A_5 = arith.addi %scan3A_3, %scan3A_4 : i32
    %scan3A_6 = arith.constant 1 : i32
    scf.for %scan3A_8 = %scan3A_3 to %scan3A_5 step %scan3A_6  : i32 {
      %mul3A_9 = arith.constant 64 : i32
      %mul3A_10 = arith.muli %scan3A_8, %mul3A_9 : i32
      %add3A_11 = arith.addi %mul3A_2, %mul3A_10 : i32
      %mul3A_12 = arith.constant 64 : i32
      %mul3A_13 = arith.muli %scan3A_8, %mul3A_12 : i32
      %dma_start3A = tpu.memref_slice %arg8[%mul3A_13] : memref<2048xi32, #tpu.memory_space<vmem>> -> memref<64xi32, #tpu.memory_space<vmem>>
      %dma_start3A_14 = arith.constant 0 : i32
      %dma_start3A_15 = arith.constant 0 : i32
      %dma_start3A_16 = tpu.memref_slice %arg2[%dma_start3A_14, %dma_start3A_15] : memref<4096x512xf32, #tpu.memory_space<hbm>> -> memref<4096x512xf32, #tpu.memory_space<hbm>>
      tpu.enqueue_indirect_dma source(%dma_start3A_16 : memref<4096x512xf32, #tpu.memory_space<hbm>>) target(%arg10 : memref<64x512xf32, #tpu.memory_space<vmem>>) offsets(%dma_start3A : memref<64xi32, #tpu.memory_space<vmem>>) semaphore(%arg12 : memref<!tpu.dma_semaphore, #tpu.memory_space<semaphore_mem>>)
      %mul3A_17 = arith.constant 64 : i32
      %mul3A_18 = arith.muli %scan3A_8, %mul3A_17 : i32
      %dma_start3A_19 = tpu.memref_slice %arg9[%mul3A_18] : memref<2048xi32, #tpu.memory_space<vmem>> -> memref<64xi32, #tpu.memory_space<vmem>>
      %dma_start3A_20 = arith.constant 0 : i32
      %dma_start3A_21 = arith.constant 0 : i32
      %dma_start3A_22 = tpu.memref_slice %arg3[%dma_start3A_20, %dma_start3A_21] : memref<4096x512xf32, #tpu.memory_space<hbm>> -> memref<4096x512xf32, #tpu.memory_space<hbm>>
      tpu.enqueue_indirect_dma source(%dma_start3A_22 : memref<4096x512xf32, #tpu.memory_space<hbm>>) target(%arg11 : memref<64x512xf32, #tpu.memory_space<vmem>>) offsets(%dma_start3A_19 : memref<64xi32, #tpu.memory_space<vmem>>) semaphore(%arg13 : memref<!tpu.dma_semaphore, #tpu.memory_space<semaphore_mem>>)
      %dma_wait3A = tpu.memref_slice %arg8[%mul3A_13] : memref<2048xi32, #tpu.memory_space<vmem>> -> memref<64xi32, #tpu.memory_space<vmem>>
      %dma_wait3A_23 = arith.constant 0 : i32
      %dma_wait3A_24 = arith.constant 0 : i32
      %dma_wait3A_25 = tpu.memref_slice %arg2[%dma_wait3A_23, %dma_wait3A_24] : memref<4096x512xf32, #tpu.memory_space<hbm>> -> memref<4096x512xf32, #tpu.memory_space<hbm>>
      tpu.wait_indirect_dma semaphore(%arg12 : memref<!tpu.dma_semaphore, #tpu.memory_space<semaphore_mem>>) src(%dma_wait3A_25 : memref<4096x512xf32, #tpu.memory_space<hbm>>) dst(%arg10 : memref<64x512xf32, #tpu.memory_space<vmem>>)
      "tpu.region"() ({
        %run_scoped3A = tpu.sem_alloc : memref<!tpu.dma_semaphore, #tpu.memory_space<semaphore_mem>>
        %dma_start3A_30 = arith.constant 0 : i32
        %dma_start3A_31 = tpu.memref_slice %arg6[%add3A_11, %dma_start3A_30] : memref<65536x512xf32, #tpu.memory_space<hbm>> -> memref<64x512xf32, #tpu.memory_space<hbm>>
        %dma_start3A_32 = arith.constant 0 : i32
        %dma_start3A_33 = tpu.memref_slice %arg6[%add3A_11, %dma_start3A_32] : memref<65536x512xf32, #tpu.memory_space<hbm>> -> memref<64x512xf32, #tpu.memory_space<hbm>>
        tpu.enqueue_dma source(%arg10 : memref<64x512xf32, #tpu.memory_space<vmem>>) target(%dma_start3A_33 : memref<64x512xf32, #tpu.memory_space<hbm>>) target_semaphore(%run_scoped3A : memref<!tpu.dma_semaphore, #tpu.memory_space<semaphore_mem>>)
        %dma_wait3A_34 = arith.constant 0 : i32
        %dma_wait3A_35 = tpu.memref_slice %arg6[%add3A_11, %dma_wait3A_34] : memref<65536x512xf32, #tpu.memory_space<hbm>> -> memref<64x512xf32, #tpu.memory_space<hbm>>
        %dma_wait3A_36 = arith.constant 0 : i32
        %dma_wait3A_37 = tpu.memref_slice %arg6[%add3A_11, %dma_wait3A_36] : memref<65536x512xf32, #tpu.memory_space<hbm>> -> memref<64x512xf32, #tpu.memory_space<hbm>>
        tpu.wait_dma2 semaphore(%run_scoped3A : memref<!tpu.dma_semaphore, #tpu.memory_space<semaphore_mem>>) src(%arg10 : memref<64x512xf32, #tpu.memory_space<vmem>>) dst(%dma_wait3A_37 : memref<64x512xf32, #tpu.memory_space<hbm>>)
        tpu.yield
      }) : () -> ()
      %dma_wait3A_26 = tpu.memref_slice %arg9[%mul3A_18] : memref<2048xi32, #tpu.memory_space<vmem>> -> memref<64xi32, #tpu.memory_space<vmem>>
      %dma_wait3A_27 = arith.constant 0 : i32
      %dma_wait3A_28 = arith.constant 0 : i32
      %dma_wait3A_29 = tpu.memref_slice %arg3[%dma_wait3A_27, %dma_wait3A_28] : memref<4096x512xf32, #tpu.memory_space<hbm>> -> memref<4096x512xf32, #tpu.memory_space<hbm>>
      tpu.wait_indirect_dma semaphore(%arg13 : memref<!tpu.dma_semaphore, #tpu.memory_space<semaphore_mem>>) src(%dma_wait3A_29 : memref<4096x512xf32, #tpu.memory_space<hbm>>) dst(%arg11 : memref<64x512xf32, #tpu.memory_space<vmem>>)
      "tpu.region"() ({
        %run_scoped3A = tpu.sem_alloc : memref<!tpu.dma_semaphore, #tpu.memory_space<semaphore_mem>>
        %dma_start3A_30 = arith.constant 0 : i32
        %dma_start3A_31 = tpu.memref_slice %arg7[%add3A_11, %dma_start3A_30] : memref<65536x512xf32, #tpu.memory_space<hbm>> -> memref<64x512xf32, #tpu.memory_space<hbm>>
        %dma_start3A_32 = arith.constant 0 : i32
        %dma_start3A_33 = tpu.memref_slice %arg7[%add3A_11, %dma_start3A_32] : memref<65536x512xf32, #tpu.memory_space<hbm>> -> memref<64x512xf32, #tpu.memory_space<hbm>>
        tpu.enqueue_dma source(%arg11 : memref<64x512xf32, #tpu.memory_space<vmem>>) target(%dma_start3A_33 : memref<64x512xf32, #tpu.memory_space<hbm>>) target_semaphore(%run_scoped3A : memref<!tpu.dma_semaphore, #tpu.memory_space<semaphore_mem>>)
        %dma_wait3A_34 = arith.constant 0 : i32
        %dma_wait3A_35 = tpu.memref_slice %arg7[%add3A_11, %dma_wait3A_34] : memref<65536x512xf32, #tpu.memory_space<hbm>> -> memref<64x512xf32, #tpu.memory_space<hbm>>
        %dma_wait3A_36 = arith.constant 0 : i32
        %dma_wait3A_37 = tpu.memref_slice %arg7[%add3A_11, %dma_wait3A_36] : memref<65536x512xf32, #tpu.memory_space<hbm>> -> memref<64x512xf32, #tpu.memory_space<hbm>>
        tpu.wait_dma2 semaphore(%run_scoped3A : memref<!tpu.dma_semaphore, #tpu.memory_space<semaphore_mem>>) src(%arg11 : memref<64x512xf32, #tpu.memory_space<vmem>>) dst(%dma_wait3A_37 : memref<64x512xf32, #tpu.memory_space<hbm>>)
        tpu.yield
      }) : () -> ()
    }
    %scan3A_7 = arith.constant 32 : i32
    return
  }
}

module attributes {stable_mosaic.version = 14 : i64} {
  func.func @_tables_body(%arg0: i32, %arg1: memref<512x256xf32, #tpu.memory_space<vmem>>, %arg2: memref<512x8xf32, #tpu.memory_space<vmem>>, %arg3: memref<8x8xf32, #tpu.memory_space<vmem>>, %arg4: memref<1x8xf32, #tpu.memory_space<vmem>>, %arg5: memref<1x8xf32, #tpu.memory_space<vmem>>, %arg6: memref<1x8xf32, #tpu.memory_space<vmem>>, %arg7: memref<8x256xf32, #tpu.memory_space<vmem>>, %arg8: memref<1x256xf32, #tpu.memory_space<vmem>>, %arg9: memref<256x768xf32, #tpu.memory_space<vmem>>, %arg10: memref<1x768xf32, #tpu.memory_space<vmem>>, %arg11: memref<512x512xf32, #tpu.memory_space<vmem>>, %arg12: memref<512x512xf32, #tpu.memory_space<vmem>>) attributes {dimension_semantics = [#tpu.dimension_semantics<arbitrary>], iteration_bounds = array<i64: 8>, scalar_prefetch = 0 : i64, scratch_operands = 0 : i64, tpu.core_type = #tpu.core_type<tc>, window_params = [{transform_indices = @transform_0, window_bounds = array<i64: 512, 256>}, {transform_indices = @transform_1, window_bounds = array<i64: 512, 8>}, {pipeline_mode = #tpu.pipeline_mode<synchronous>, transform_indices = @transform_2, window_bounds = array<i64: 8, 8>}, {pipeline_mode = #tpu.pipeline_mode<synchronous>, transform_indices = @transform_3, window_bounds = array<i64: 1, 8>}, {pipeline_mode = #tpu.pipeline_mode<synchronous>, transform_indices = @transform_4, window_bounds = array<i64: 1, 8>}, {pipeline_mode = #tpu.pipeline_mode<synchronous>, transform_indices = @transform_5, window_bounds = array<i64: 1, 8>}, {pipeline_mode = #tpu.pipeline_mode<synchronous>, transform_indices = @transform_6, window_bounds = array<i64: 8, 256>}, {pipeline_mode = #tpu.pipeline_mode<synchronous>, transform_indices = @transform_7, window_bounds = array<i64: 1, 256>}, {pipeline_mode = #tpu.pipeline_mode<synchronous>, transform_indices = @transform_8, window_bounds = array<i64: 256, 768>}, {pipeline_mode = #tpu.pipeline_mode<synchronous>, transform_indices = @transform_9, window_bounds = array<i64: 1, 768>}, {transform_indices = @transform_10, window_bounds = array<i64: 512, 512>}, {transform_indices = @transform_11, window_bounds = array<i64: 512, 512>}]} {
    %get3A = arith.constant 0 : index
    %get3A_0 = arith.constant 0 : index
    %get3A_1 = vector.load %arg2[%get3A, %get3A_0] : memref<512x8xf32, #tpu.memory_space<vmem>>, vector<512x8xf32>
    %get3A_2 = arith.constant 0 : index
    %get3A_3 = arith.constant 0 : index
    %get3A_4 = vector.load %arg3[%get3A_2, %get3A_3] : memref<8x8xf32, #tpu.memory_space<vmem>>, vector<8x8xf32>
    %dot_general3A = arith.constant dense<0.000000e+00> : vector<512x8xf32>
    %dot_general3A_5 = tpu.matmul %get3A_1, %get3A_4, %dot_general3A {dimension_numbers = #tpu.dot_dimension_numbers<[1], [0], [0], [1], [0, 0, 1, 1], [], []>, transpose_lhs_hint = false} : vector<512x8xf32>, vector<8x8xf32>, vector<512x8xf32> -> vector<512x8xf32>
    %get3A_6 = arith.constant 0 : index
    %get3A_7 = arith.constant 0 : index
    %get3A_8 = vector.load %arg4[%get3A_6, %get3A_7] : memref<1x8xf32, #tpu.memory_space<vmem>>, vector<1x8xf32>
    %add3A = vector.broadcast %get3A_8 : vector<1x8xf32> to vector<512x8xf32>
    %add3A_9 = arith.addf %dot_general3A_5, %add3A : vector<512x8xf32>
    %get3A_10 = arith.constant 0 : index
    %get3A_11 = arith.constant 0 : index
    %get3A_12 = vector.load %arg5[%get3A_10, %get3A_11] : memref<1x8xf32, #tpu.memory_space<vmem>>, vector<1x8xf32>
    %mul3A = vector.broadcast %get3A_12 : vector<1x8xf32> to vector<512x8xf32>
    %mul3A_13 = arith.mulf %add3A_9, %mul3A : vector<512x8xf32>
    %get3A_14 = arith.constant 0 : index
    %get3A_15 = arith.constant 0 : index
    %get3A_16 = vector.load %arg6[%get3A_14, %get3A_15] : memref<1x8xf32, #tpu.memory_space<vmem>>, vector<1x8xf32>
    %add3A_17 = vector.broadcast %get3A_16 : vector<1x8xf32> to vector<512x8xf32>
    %add3A_18 = arith.addf %mul3A_13, %add3A_17 : vector<512x8xf32>
    %max3A = arith.constant 0.000000e+00 : f32
    %max3A_19 = vector.broadcast %max3A : f32 to vector<512x8xf32>
    %max3A_20 = arith.maximumf %add3A_18, %max3A_19 : vector<512x8xf32>
    %get3A_21 = arith.constant 0 : index
    %get3A_22 = arith.constant 0 : index
    %get3A_23 = vector.load %arg7[%get3A_21, %get3A_22] : memref<8x256xf32, #tpu.memory_space<vmem>>, vector<8x256xf32>
    %dot_general3A_24 = arith.constant dense<0.000000e+00> : vector<512x256xf32>
    %dot_general3A_25 = tpu.matmul %max3A_20, %get3A_23, %dot_general3A_24 {dimension_numbers = #tpu.dot_dimension_numbers<[1], [0], [0], [1], [0, 0, 1, 1], [], []>, transpose_lhs_hint = false} : vector<512x8xf32>, vector<8x256xf32>, vector<512x256xf32> -> vector<512x256xf32>
    %get3A_26 = arith.constant 0 : index
    %get3A_27 = arith.constant 0 : index
    %get3A_28 = vector.load %arg8[%get3A_26, %get3A_27] : memref<1x256xf32, #tpu.memory_space<vmem>>, vector<1x256xf32>
    %add3A_29 = vector.broadcast %get3A_28 : vector<1x256xf32> to vector<512x256xf32>
    %add3A_30 = arith.addf %dot_general3A_25, %add3A_29 : vector<512x256xf32>
    %get3A_31 = arith.constant 0 : index
    %get3A_32 = arith.constant 0 : index
    %get3A_33 = vector.load %arg1[%get3A_31, %get3A_32] : memref<512x256xf32, #tpu.memory_space<vmem>>, vector<512x256xf32>
    %get3A_34 = arith.constant 0 : index
    %get3A_35 = arith.constant 0 : index
    %get3A_36 = vector.load %arg9[%get3A_34, %get3A_35] : memref<256x768xf32, #tpu.memory_space<vmem>>, vector<256x768xf32>
    %dot_general3A_37 = arith.constant dense<0.000000e+00> : vector<512x768xf32>
    %dot_general3A_38 = tpu.matmul %get3A_33, %get3A_36, %dot_general3A_37 {dimension_numbers = #tpu.dot_dimension_numbers<[1], [0], [0], [1], [0, 0, 1, 1], [], []>, transpose_lhs_hint = false} : vector<512x256xf32>, vector<256x768xf32>, vector<512x768xf32> -> vector<512x768xf32>
    %get3A_39 = arith.constant 0 : index
    %get3A_40 = arith.constant 0 : index
    %get3A_41 = vector.load %arg10[%get3A_39, %get3A_40] : memref<1x768xf32, #tpu.memory_space<vmem>>, vector<1x768xf32>
    %add3A_42 = vector.broadcast %get3A_41 : vector<1x768xf32> to vector<512x768xf32>
    %add3A_43 = arith.addf %dot_general3A_38, %add3A_42 : vector<512x768xf32>
    %slice3A = vector.extract_strided_slice %add3A_43 {offsets = [0, 0], sizes = [512, 256], strides = [1, 1]} : vector<512x768xf32> to vector<512x256xf32>
    %slice3A_44 = vector.extract_strided_slice %add3A_43 {offsets = [0, 256], sizes = [512, 256], strides = [1, 1]} : vector<512x768xf32> to vector<512x256xf32>
    %slice3A_45 = vector.extract_strided_slice %add3A_43 {offsets = [0, 512], sizes = [512, 256], strides = [1, 1]} : vector<512x768xf32> to vector<512x256xf32>
    %add3A_46 = arith.addf %slice3A, %add3A_30 : vector<512x256xf32>
    %concatenate3A = tpu.concatenate %add3A_46, %add3A_30 in 1 : vector<512x256xf32>, vector<512x256xf32> -> vector<512x512xf32>
    %swap3A = arith.constant 0 : index
    %swap3A_47 = arith.constant 0 : index
    %swap3A_48 = vector.load %arg11[%swap3A, %swap3A_47] : memref<512x512xf32, #tpu.memory_space<vmem>>, vector<512x512xf32>
    tpu.vector_store %arg11[%swap3A, %swap3A_47], %concatenate3A {strides = array<i32>} : memref<512x512xf32, #tpu.memory_space<vmem>>, vector<512x512xf32>,
    %add3A_49 = arith.addf %slice3A_44, %add3A_30 : vector<512x256xf32>
    %neg3A = arith.constant 0.000000e+00 : f32
    %neg3A_50 = vector.broadcast %neg3A : f32 to vector<512x256xf32>
    %neg3A_51 = arith.subf %neg3A_50, %add3A_49 : vector<512x256xf32>
    %sub3A = arith.subf %slice3A_45, %add3A_30 : vector<512x256xf32>
    %concatenate3A_52 = tpu.concatenate %neg3A_51, %sub3A in 1 : vector<512x256xf32>, vector<512x256xf32> -> vector<512x512xf32>
    %swap3A_53 = arith.constant 0 : index
    %swap3A_54 = arith.constant 0 : index
    %swap3A_55 = vector.load %arg12[%swap3A_53, %swap3A_54] : memref<512x512xf32, #tpu.memory_space<vmem>>, vector<512x512xf32>
    tpu.vector_store %arg12[%swap3A_53, %swap3A_54], %concatenate3A_52 {strides = array<i32>} : memref<512x512xf32, #tpu.memory_space<vmem>>, vector<512x512xf32>,
    return
  }
  func.func @transform_0(%arg0: i32) -> (i32, i32) {
    %c0_i32 = arith.constant 0 : i32
    %c0_i32_0 = arith.constant 0 : i32
    return %arg0, %c0_i32 : i32, i32
  }
  func.func @transform_1(%arg0: i32) -> (i32, i32) {
    %c0_i32 = arith.constant 0 : i32
    %c0_i32_0 = arith.constant 0 : i32
    return %arg0, %c0_i32 : i32, i32
  }
  func.func @transform_2(%arg0: i32) -> (i32, i32) {
    %c0_i32 = arith.constant 0 : i32
    %c0_i32_0 = arith.constant 0 : i32
    %c0_i32_1 = arith.constant 0 : i32
    return %c0_i32, %c0_i32_0 : i32, i32
  }
  func.func @transform_3(%arg0: i32) -> (i32, i32) {
    %c0_i32 = arith.constant 0 : i32
    %c0_i32_0 = arith.constant 0 : i32
    %c0_i32_1 = arith.constant 0 : i32
    return %c0_i32, %c0_i32_0 : i32, i32
  }
  func.func @transform_4(%arg0: i32) -> (i32, i32) {
    %c0_i32 = arith.constant 0 : i32
    %c0_i32_0 = arith.constant 0 : i32
    %c0_i32_1 = arith.constant 0 : i32
    return %c0_i32, %c0_i32_0 : i32, i32
  }
  func.func @transform_5(%arg0: i32) -> (i32, i32) {
    %c0_i32 = arith.constant 0 : i32
    %c0_i32_0 = arith.constant 0 : i32
    %c0_i32_1 = arith.constant 0 : i32
    return %c0_i32, %c0_i32_0 : i32, i32
  }
  func.func @transform_6(%arg0: i32) -> (i32, i32) {
    %c0_i32 = arith.constant 0 : i32
    %c0_i32_0 = arith.constant 0 : i32
    %c0_i32_1 = arith.constant 0 : i32
    return %c0_i32, %c0_i32_0 : i32, i32
  }
  func.func @transform_7(%arg0: i32) -> (i32, i32) {
    %c0_i32 = arith.constant 0 : i32
    %c0_i32_0 = arith.constant 0 : i32
    %c0_i32_1 = arith.constant 0 : i32
    return %c0_i32, %c0_i32_0 : i32, i32
  }
  func.func @transform_8(%arg0: i32) -> (i32, i32) {
    %c0_i32 = arith.constant 0 : i32
    %c0_i32_0 = arith.constant 0 : i32
    %c0_i32_1 = arith.constant 0 : i32
    return %c0_i32, %c0_i32_0 : i32, i32
  }
  func.func @transform_9(%arg0: i32) -> (i32, i32) {
    %c0_i32 = arith.constant 0 : i32
    %c0_i32_0 = arith.constant 0 : i32
    %c0_i32_1 = arith.constant 0 : i32
    return %c0_i32, %c0_i32_0 : i32, i32
  }
  func.func @transform_10(%arg0: i32) -> (i32, i32) {
    %c0_i32 = arith.constant 0 : i32
    %c0_i32_0 = arith.constant 0 : i32
    return %arg0, %c0_i32 : i32, i32
  }
  func.func @transform_11(%arg0: i32) -> (i32, i32) {
    %c0_i32 = arith.constant 0 : i32
    %c0_i32_0 = arith.constant 0 : i32
    return %arg0, %c0_i32 : i32, i32
  }
}

module attributes {stable_mosaic.version = 14 : i64} {
  func.func @_mlp_body(%arg0: i32, %arg1: memref<1024x512xf32, #tpu.memory_space<vmem>>, %arg2: memref<1024x512xf32, #tpu.memory_space<vmem>>, %arg3: memref<1x256xf32, #tpu.memory_space<vmem>>, %arg4: memref<1x256xf32, #tpu.memory_space<vmem>>, %arg5: memref<256x32xf32, #tpu.memory_space<vmem>>, %arg6: memref<1x32xf32, #tpu.memory_space<vmem>>, %arg7: memref<1x32xf32, #tpu.memory_space<vmem>>, %arg8: memref<1x32xf32, #tpu.memory_space<vmem>>, %arg9: memref<32x32xf32, #tpu.memory_space<vmem>>, %arg10: memref<1x32xf32, #tpu.memory_space<vmem>>, %arg11: memref<32x256xf32, #tpu.memory_space<vmem>>, %arg12: memref<64x256xf32, #tpu.memory_space<vmem>>) attributes {dimension_semantics = [#tpu.dimension_semantics<arbitrary>], iteration_bounds = array<i64: 64>, scalar_prefetch = 0 : i64, scratch_operands = 0 : i64, tpu.core_type = #tpu.core_type<tc>, window_params = [{transform_indices = @transform_0, window_bounds = array<i64: 1024, 512>}, {transform_indices = @transform_1, window_bounds = array<i64: 1024, 512>}, {pipeline_mode = #tpu.pipeline_mode<synchronous>, transform_indices = @transform_2, window_bounds = array<i64: 1, 256>}, {pipeline_mode = #tpu.pipeline_mode<synchronous>, transform_indices = @transform_3, window_bounds = array<i64: 1, 256>}, {pipeline_mode = #tpu.pipeline_mode<synchronous>, transform_indices = @transform_4, window_bounds = array<i64: 256, 32>}, {pipeline_mode = #tpu.pipeline_mode<synchronous>, transform_indices = @transform_5, window_bounds = array<i64: 1, 32>}, {pipeline_mode = #tpu.pipeline_mode<synchronous>, transform_indices = @transform_6, window_bounds = array<i64: 1, 32>}, {pipeline_mode = #tpu.pipeline_mode<synchronous>, transform_indices = @transform_7, window_bounds = array<i64: 1, 32>}, {pipeline_mode = #tpu.pipeline_mode<synchronous>, transform_indices = @transform_8, window_bounds = array<i64: 32, 32>}, {pipeline_mode = #tpu.pipeline_mode<synchronous>, transform_indices = @transform_9, window_bounds = array<i64: 1, 32>}, {pipeline_mode = #tpu.pipeline_mode<synchronous>, transform_indices = @transform_10, window_bounds = array<i64: 32, 256>}, {transform_indices = @transform_11, window_bounds = array<i64: 64, 256>}]} {
    %get3A = arith.constant 0 : index
    %get3A_0 = arith.constant 0 : index
    %get3A_1 = vector.load %arg1[%get3A, %get3A_0] : memref<1024x512xf32, #tpu.memory_space<vmem>>, vector<1024x512xf32>
    %get3A_2 = arith.constant 0 : index
    %get3A_3 = arith.constant 0 : index
    %get3A_4 = vector.load %arg2[%get3A_2, %get3A_3] : memref<1024x512xf32, #tpu.memory_space<vmem>>, vector<1024x512xf32>
    %add3A = arith.addf %get3A_1, %get3A_4 : vector<1024x512xf32>
    %slice3A = vector.extract_strided_slice %add3A {offsets = [0, 0], sizes = [1024, 256], strides = [1, 1]} : vector<1024x512xf32> to vector<1024x256xf32>
    %slice3A_5 = vector.extract_strided_slice %add3A {offsets = [0, 256], sizes = [1024, 256], strides = [1, 1]} : vector<1024x512xf32> to vector<1024x256xf32>
    %get3A_6 = arith.constant 0 : index
    %get3A_7 = arith.constant 0 : index
    %get3A_8 = vector.load %arg3[%get3A_6, %get3A_7] : memref<1x256xf32, #tpu.memory_space<vmem>>, vector<1x256xf32>
    %mul3A = vector.broadcast %get3A_8 : vector<1x256xf32> to vector<1024x256xf32>
    %mul3A_9 = arith.mulf %slice3A, %mul3A : vector<1024x256xf32>
    %get3A_10 = arith.constant 0 : index
    %get3A_11 = arith.constant 0 : index
    %get3A_12 = vector.load %arg4[%get3A_10, %get3A_11] : memref<1x256xf32, #tpu.memory_space<vmem>>, vector<1x256xf32>
    %add3A_13 = vector.broadcast %get3A_12 : vector<1x256xf32> to vector<1024x256xf32>
    %add3A_14 = arith.addf %mul3A_9, %add3A_13 : vector<1024x256xf32>
    %max3A = arith.constant 0.000000e+00 : f32
    %max3A_15 = vector.broadcast %max3A : f32 to vector<1024x256xf32>
    %max3A_16 = arith.maximumf %add3A_14, %max3A_15 : vector<1024x256xf32>
    %get3A_17 = arith.constant 0 : index
    %get3A_18 = arith.constant 0 : index
    %get3A_19 = vector.load %arg5[%get3A_17, %get3A_18] : memref<256x32xf32, #tpu.memory_space<vmem>>, vector<256x32xf32>
    %dot_general3A = arith.constant dense<0.000000e+00> : vector<1024x32xf32>
    %dot_general3A_20 = tpu.matmul %max3A_16, %get3A_19, %dot_general3A {dimension_numbers = #tpu.dot_dimension_numbers<[1], [0], [0], [1], [0, 0, 1, 1], [], []>, transpose_lhs_hint = false} : vector<1024x256xf32>, vector<256x32xf32>, vector<1024x32xf32> -> vector<1024x32xf32>
    %get3A_21 = arith.constant 0 : index
    %get3A_22 = arith.constant 0 : index
    %get3A_23 = vector.load %arg6[%get3A_21, %get3A_22] : memref<1x32xf32, #tpu.memory_space<vmem>>, vector<1x32xf32>
    %add3A_24 = vector.broadcast %get3A_23 : vector<1x32xf32> to vector<1024x32xf32>
    %add3A_25 = arith.addf %dot_general3A_20, %add3A_24 : vector<1024x32xf32>
    %get3A_26 = arith.constant 0 : index
    %get3A_27 = arith.constant 0 : index
    %get3A_28 = vector.load %arg7[%get3A_26, %get3A_27] : memref<1x32xf32, #tpu.memory_space<vmem>>, vector<1x32xf32>
    %mul3A_29 = vector.broadcast %get3A_28 : vector<1x32xf32> to vector<1024x32xf32>
    %mul3A_30 = arith.mulf %add3A_25, %mul3A_29 : vector<1024x32xf32>
    %get3A_31 = arith.constant 0 : index
    %get3A_32 = arith.constant 0 : index
    %get3A_33 = vector.load %arg8[%get3A_31, %get3A_32] : memref<1x32xf32, #tpu.memory_space<vmem>>, vector<1x32xf32>
    %add3A_34 = vector.broadcast %get3A_33 : vector<1x32xf32> to vector<1024x32xf32>
    %add3A_35 = arith.addf %mul3A_30, %add3A_34 : vector<1024x32xf32>
    %max3A_36 = arith.constant 0.000000e+00 : f32
    %max3A_37 = vector.broadcast %max3A_36 : f32 to vector<1024x32xf32>
    %max3A_38 = arith.maximumf %add3A_35, %max3A_37 : vector<1024x32xf32>
    %get3A_39 = arith.constant 0 : index
    %get3A_40 = arith.constant 0 : index
    %get3A_41 = vector.load %arg9[%get3A_39, %get3A_40] : memref<32x32xf32, #tpu.memory_space<vmem>>, vector<32x32xf32>
    %dot_general3A_42 = arith.constant dense<0.000000e+00> : vector<1024x32xf32>
    %dot_general3A_43 = tpu.matmul %max3A_38, %get3A_41, %dot_general3A_42 {dimension_numbers = #tpu.dot_dimension_numbers<[1], [0], [0], [1], [0, 0, 1, 1], [], []>, transpose_lhs_hint = false} : vector<1024x32xf32>, vector<32x32xf32>, vector<1024x32xf32> -> vector<1024x32xf32>
    %get3A_44 = arith.constant 0 : index
    %get3A_45 = arith.constant 0 : index
    %get3A_46 = vector.load %arg10[%get3A_44, %get3A_45] : memref<1x32xf32, #tpu.memory_space<vmem>>, vector<1x32xf32>
    %add3A_47 = vector.broadcast %get3A_46 : vector<1x32xf32> to vector<1024x32xf32>
    %add3A_48 = arith.addf %dot_general3A_43, %add3A_47 : vector<1024x32xf32>
    %reshape3A = vector.shape_cast %add3A_48 : vector<1024x32xf32> to vector<64x16x32xf32>
    %reduce_max3A = arith.constant dense<0xFF800000> : vector<64x32xf32>
    %reduce_max3A_49 = vector.multi_reduction <maximumf>, %reshape3A, %reduce_max3A [1] : vector<64x16x32xf32> to vector<64x32xf32>
    %broadcast_in_dim3A = vector.shape_cast %reduce_max3A_49 : vector<64x32xf32> to vector<64x1x32xf32>
    %sub3A = vector.broadcast %broadcast_in_dim3A : vector<64x1x32xf32> to vector<64x16x32xf32>
    %sub3A_50 = arith.subf %reshape3A, %sub3A : vector<64x16x32xf32>
    %exp3A = math.exp %sub3A_50 : vector<64x16x32xf32>
    %reduce_sum3A = arith.constant dense<0.000000e+00> : vector<64x32xf32>
    %reduce_sum3A_51 = vector.multi_reduction <add>, %exp3A, %reduce_sum3A [1] : vector<64x16x32xf32> to vector<64x32xf32>
    %broadcast_in_dim3A_52 = vector.shape_cast %reduce_sum3A_51 : vector<64x32xf32> to vector<64x1x32xf32>
    %div3A = vector.broadcast %broadcast_in_dim3A_52 : vector<64x1x32xf32> to vector<64x16x32xf32>
    %div3A_53 = arith.divf %exp3A, %div3A : vector<64x16x32xf32>
    %reshape3A_54 = vector.shape_cast %div3A_53 : vector<64x16x32xf32> to vector<1024x32xf32>
    %get3A_55 = arith.constant 0 : index
    %get3A_56 = arith.constant 0 : index
    %get3A_57 = vector.load %arg11[%get3A_55, %get3A_56] : memref<32x256xf32, #tpu.memory_space<vmem>>, vector<32x256xf32>
    %dot_general3A_58 = arith.constant dense<0.000000e+00> : vector<1024x256xf32>
    %dot_general3A_59 = tpu.matmul %reshape3A_54, %get3A_57, %dot_general3A_58 {dimension_numbers = #tpu.dot_dimension_numbers<[1], [0], [0], [1], [0, 0, 1, 1], [], []>, transpose_lhs_hint = false} : vector<1024x32xf32>, vector<32x256xf32>, vector<1024x256xf32> -> vector<1024x256xf32>
    %mul3A_60 = arith.mulf %dot_general3A_59, %slice3A_5 : vector<1024x256xf32>
    %reshape3A_61 = vector.shape_cast %mul3A_60 : vector<1024x256xf32> to vector<64x16x256xf32>
    %reduce_sum3A_62 = arith.constant dense<0.000000e+00> : vector<64x256xf32>
    %reduce_sum3A_63 = vector.multi_reduction <add>, %reshape3A_61, %reduce_sum3A_62 [1] : vector<64x16x256xf32> to vector<64x256xf32>
    %swap3A = arith.constant 0 : index
    %swap3A_64 = arith.constant 0 : index
    %swap3A_65 = vector.load %arg12[%swap3A, %swap3A_64] : memref<64x256xf32, #tpu.memory_space<vmem>>, vector<64x256xf32>
    tpu.vector_store %arg12[%swap3A, %swap3A_64], %reduce_sum3A_63 {strides = array<i32>} : memref<64x256xf32, #tpu.memory_space<vmem>>, vector<64x256xf32>,
    return
  }
  func.func @transform_0(%arg0: i32) -> (i32, i32) {
    %c0_i32 = arith.constant 0 : i32
    %c0_i32_0 = arith.constant 0 : i32
    return %arg0, %c0_i32 : i32, i32
  }
  func.func @transform_1(%arg0: i32) -> (i32, i32) {
    %c0_i32 = arith.constant 0 : i32
    %c0_i32_0 = arith.constant 0 : i32
    return %arg0, %c0_i32 : i32, i32
  }
  func.func @transform_2(%arg0: i32) -> (i32, i32) {
    %c0_i32 = arith.constant 0 : i32
    %c0_i32_0 = arith.constant 0 : i32
    %c0_i32_1 = arith.constant 0 : i32
    return %c0_i32, %c0_i32_0 : i32, i32
  }
  func.func @transform_3(%arg0: i32) -> (i32, i32) {
    %c0_i32 = arith.constant 0 : i32
    %c0_i32_0 = arith.constant 0 : i32
    %c0_i32_1 = arith.constant 0 : i32
    return %c0_i32, %c0_i32_0 : i32, i32
  }
  func.func @transform_4(%arg0: i32) -> (i32, i32) {
    %c0_i32 = arith.constant 0 : i32
    %c0_i32_0 = arith.constant 0 : i32
    %c0_i32_1 = arith.constant 0 : i32
    return %c0_i32, %c0_i32_0 : i32, i32
  }
  func.func @transform_5(%arg0: i32) -> (i32, i32) {
    %c0_i32 = arith.constant 0 : i32
    %c0_i32_0 = arith.constant 0 : i32
    %c0_i32_1 = arith.constant 0 : i32
    return %c0_i32, %c0_i32_0 : i32, i32
  }
  func.func @transform_6(%arg0: i32) -> (i32, i32) {
    %c0_i32 = arith.constant 0 : i32
    %c0_i32_0 = arith.constant 0 : i32
    %c0_i32_1 = arith.constant 0 : i32
    return %c0_i32, %c0_i32_0 : i32, i32
  }
  func.func @transform_7(%arg0: i32) -> (i32, i32) {
    %c0_i32 = arith.constant 0 : i32
    %c0_i32_0 = arith.constant 0 : i32
    %c0_i32_1 = arith.constant 0 : i32
    return %c0_i32, %c0_i32_0 : i32, i32
  }
  func.func @transform_8(%arg0: i32) -> (i32, i32) {
    %c0_i32 = arith.constant 0 : i32
    %c0_i32_0 = arith.constant 0 : i32
    %c0_i32_1 = arith.constant 0 : i32
    return %c0_i32, %c0_i32_0 : i32, i32
  }
  func.func @transform_9(%arg0: i32) -> (i32, i32) {
    %c0_i32 = arith.constant 0 : i32
    %c0_i32_0 = arith.constant 0 : i32
    %c0_i32_1 = arith.constant 0 : i32
    return %c0_i32, %c0_i32_0 : i32, i32
  }
  func.func @transform_10(%arg0: i32) -> (i32, i32) {
    %c0_i32 = arith.constant 0 : i32
    %c0_i32_0 = arith.constant 0 : i32
    %c0_i32_1 = arith.constant 0 : i32
    return %c0_i32, %c0_i32_0 : i32, i32
  }
  func.func @transform_11(%arg0: i32) -> (i32, i32) {
    %c0_i32 = arith.constant 0 : i32
    %c0_i32_0 = arith.constant 0 : i32
    return %arg0, %c0_i32 : i32, i32
  }
}

</mosaic_0001>

<sc_bundles>
// kernel: kernel.5.cloned.1.call-start
scs
__scs_entry_jumppad:
0x0: {  	(pc) =	sbr.rel $0x88, $3  }
0x1: {  	(tag) =	ssettag $0x0;
	lr =	simm.s32 $0x1  }
0x2: {  	[smem:$0x3F8D] =	sst lr;
	_ =	strace $0xD0000000  }
0x3: {  	_ = 	snop  }
0x4: {  	_ = 	snop  }
0x5: {  	_ = 	snop  }
0x6: {  	_ = 	snop  }
0x7: {  	_ = 	snop  }
__scs_overlays_trampoline_lowered:
0x8: {  	[smem:$0x3F9C] =	sst s0  }
0x9: {  	[smem:$0x3F9D] =	sst s1  }
0xa: {  	[smem:$0x3F9E] =	sst s2  }
0xb: {  	[smem:$0x3F9F] =	sst s3  }
0xc: {  	[smem:$0x3FA0] =	sst s4  }
0xd: {  	[smem:$0x3FA1] =	sst s5  }
0xe: {  	[smem:$0x3FA2] =	sst s6  }
0xf: {  	[smem:$0x3FA3] =	sst s7  }
0x10: {  	[smem:$0x3FA4] =	sst s8  }
0x11: {  	[smem:$0x3FA5] =	sst s9;
	s0 =	simm.s32 @!p0 $0x0  }
0x12: {  	s1 =	sld [smem:$0x3F8B];
	s0 =	simm.s32 @p0 $0x1  }
0x13: {  	[smem:$0x3FA6] =	sst s0;
	s0 =	simm.s32 @!p1 $0x0  }
0x14: {  	s2 =	sld [smem:$0x3F8A];
	s0 =	simm.s32 @p1 $0x1  }
0x15: {  	[smem:$0x3FA7] =	sst s0;
	s0 =	simm.s32 @!p2 $0x0  }
0x16: {  	s3 =	sld [smem:$0x3FDB];
	s0 =	simm.s32 @p2 $0x1  }
0x17: {  	s4 =	simm.s32 $0x1BF5;
	[smem:$0x3FA9] =	sst s0  }
0x18: {  	s0 =	sld [smem:$0x3F8C];
	_ =	swait.ge [sflag:s4], $0x0  }
0x19: {  	s7 =	sld [smem:$0x3F8D]  }
0x1a: {  	s8 =	sadd.s32 $0xFFFFE003, lr  }
0x1b: {  	s9 =	sadd.s32 $0xFFFFFEF7, lr;
	s5 =	simm.s32 $0xFFFFFFFF;
	p2 =	slt.u32 s8, $0xFFFFF086  }
0x1c: {  	p1 =	slt.u32 s9, $0xF7A;
	s5 =	simm.s32 @!p2 $0x0  }
0x1d: {  	s5 =	simm.s32 @p1 $0x1;
	p0 =	seq.s32 s7, s2  }
0x1e: {  	s7 =	smul.u32 @!p0 $0xF7A, s2;
	p2 =	seq.s32 @!p0 s5, $0x0  }
0x1f: {  	s9 =	smul.u32 $0xF7A, s1;
	s8 =	simm.s32 @!p0 $0x1BF5;
	p2 =	por !p2, p0  }
0x20: {  	[sflag:s8] =	ssyncset.s32 @!p0 $0xFFFFF086;
	s6 =	sadd.s32 @!p0 s3, s7;
	s7 =	simm.s32 @!p0 $0x108  }
0x21: {  	s3 =	sadd.s32 s3, s9;
	s6 =	sadd.s32 @!p0 $0x88, s6;
	s7 =	simm.s32 @p2 $0x1082  }
0x22: {  	[simem:s7], [sflag:s8] =	dma.local @!p0 [hbm:s6], $0xF7A  }
0x23: {  	s9 =	sor.u32 $0xD0000000, s2;
	s6 =	simm.s32 $0x108;
	_ =	swait.ge @!p0 [sflag:s8], $0x0  }
0x24: {  	s3 =	sadd.s32 $0x88, s3;
	s6 =	simm.s32 @!p1 $0x1082;
	[sflag:s4] =	ssyncset.s32 $0xFFFFF086  }
0x25: {  	[simem:s6], [sflag:s4] =	dma.local [hbm:s3], $0xF7A  }
0x26: {  	[smem:$0x3F8D] =	sst s1;
	(tag) =	ssettag s2;
	_ =	strace s9  }
0x27: {  	s1 =	sld [smem:$0x3F9D]  }
0x28: {  	s2 =	sld [smem:$0x3F9E]  }
0x29: {  	s4 =	sld [smem:$0x3FA0]  }
0x2a: {  	p0 =	seq.s32 s5, $0x0;
	s5 =	sld [smem:$0x3FA1]  }
0x2b: {  	s6 =	sld [smem:$0x3FA2]  }
0x2c: {  	s7 =	sld [smem:$0x3FA3]  }
0x2d: {  	s3 =	simm.s32 $0x108;
	s8 =	sld [smem:$0x3FA4]  }
0x2e: {  	s3 =	simm.s32 @!p0 $0x1082;
	s9 =	sld [smem:$0x3FA5]  }
0x2f: {  	lr =	sadd.s32 s0, s3;
	s0 =	sld [smem:$0x3F9C]  }
0x30: {  	s3 =	sld [smem:$0x3F9F]  }
0x31: {  	[smem:$0x3FA8] =	sst s10  }
0x32: {  	s10 =	sld [smem:$0x3FA6];
	_ =	sdelay $0x3  }
0x33: {  	p0 =	seq.s32 s10, $0x1;
	s10 =	sld [smem:$0x3FA8];
	_ =	sdelay $0x3  }
0x34: {  	[smem:$0x3FA8] =	sst s10  }
0x35: {  	s10 =	sld [smem:$0x3FA7];
	_ =	sdelay $0x3  }
0x36: {  	p1 =	seq.s32 s10, $0x1;
	s10 =	sld [smem:$0x3FA8];
	_ =	sdelay $0x3  }
0x37: {  	[smem:$0x3FA8] =	sst s10  }
0x38: {  	s10 =	sld [smem:$0x3FA9]  }
0x39: {  	_ = 	snop;
	(pc) =	sbr.ind lr, $3  }
0x3a: {  	_ = 	snop  }
0x3b: {  	_ = 	snop  }
0x3c: {  	p2 =	seq.s32 s10, $0x1;
	s10 =	sld [smem:$0x3FA8]  }
0x3d: {  	_ =	shalt  }
0x3e: {  	_ =	shalt  }
0x3f: {  	_ =	shalt  }
0x40: {  	_ =	shalt  }
0x41: {  	_ =	shalt  }
0x42: {  	_ =	shalt  }
0x43: {  	_ =	shalt  }
0x44: {  	_ =	shalt  }
0x45: {  	_ =	shalt  }
0x46: {  	_ =	shalt  }
0x47: {  	_ =	shalt  }
0x48: {  	_ =	shalt  }
0x49: {  	_ =	shalt  }
0x4a: {  	_ =	shalt  }
0x4b: {  	_ =	shalt  }
0x4c: {  	_ =	shalt  }
0x4d: {  	_ =	shalt  }
0x4e: {  	_ =	shalt  }
0x4f: {  	_ =	shalt  }
0x50: {  	_ =	shalt  }
0x51: {  	_ =	shalt  }
0x52: {  	_ =	shalt  }
0x53: {  	_ =	shalt  }
0x54: {  	_ =	shalt  }
0x55: {  	_ =	shalt  }
0x56: {  	_ =	shalt  }
0x57: {  	_ =	shalt  }
0x58: {  	_ =	shalt  }
0x59: {  	_ =	shalt  }
0x5a: {  	_ =	shalt  }
0x5b: {  	_ =	shalt  }
0x5c: {  	_ =	shalt  }
0x5d: {  	_ =	shalt  }
0x5e: {  	_ =	shalt  }
0x5f: {  	_ =	shalt  }
0x60: {  	_ =	shalt  }
0x61: {  	_ =	shalt  }
0x62: {  	_ =	shalt  }
0x63: {  	_ =	shalt  }
0x64: {  	_ =	shalt  }
0x65: {  	_ =	shalt  }
0x66: {  	_ =	shalt  }
0x67: {  	_ =	shalt  }
0x68: {  	_ =	shalt  }
0x69: {  	_ =	shalt  }
0x6a: {  	_ =	shalt  }
0x6b: {  	_ =	shalt  }
0x6c: {  	_ =	shalt  }
0x6d: {  	_ =	shalt  }
0x6e: {  	_ =	shalt  }
0x6f: {  	_ =	shalt  }
0x70: {  	_ =	shalt  }
0x71: {  	_ =	shalt  }
0x72: {  	_ =	shalt  }
0x73: {  	_ =	shalt  }
0x74: {  	_ =	shalt  }
0x75: {  	_ =	shalt  }
0x76: {  	_ =	shalt  }
0x77: {  	_ =	shalt  }
0x78: {  	_ =	shalt  }
0x79: {  	_ =	shalt  }
0x7a: {  	_ =	shalt  }
0x7b: {  	_ =	shalt  }
0x7c: {  	_ =	shalt  }
0x7d: {  	_ =	shalt  }
0x7e: {  	_ =	shalt  }
0x7f: {  	_ =	shalt  }
0x80: {  	_ =	shalt  }
0x81: {  	_ =	shalt  }
0x82: {  	_ =	shalt  }
0x83: {  	_ =	shalt  }
0x84: {  	_ =	shalt  }
0x85: {  	_ =	shalt  }
0x86: {  	_ =	shalt  }
0x87: {  	_ =	shalt  }
.Lfunc_end0:
.L_simem_size_0:
called_computation_lowered:
.L_overlay_start_0:
0x88: {  	s2 =	sld [smem:$0x3FD9]  }
0x89: {  	s3 =	sld [smem:$0x3FFE];
	_ =	sdelay $0x1  }
0x8a: {  	s1 =	srdreg.scid  }
0x8b: {  	s0 =	sand.u32 $0x1, s1  }
0x8c: {  	s17 =	sshll.u32 s0, $0xA;
	s2 =	sadd.s32 s3, s2  }
0x8d: {  	s2 =	sadd.s32 s2, s17  }
0x8e: {  	[smem:$0x3FB4] =	sst s2  }
0x8f: {  	_ = 	snop  }
0x90: {  	s2 =	sld [smem:$0x3FD0];
	(tm) =	ssettm $0x1  }
0x91: {  	s18 =	sld [smem:$0x3FFB];
	_ =	sdelay $0x3  }
0x92: {  	_ =	strace s18  }
0x93: {  	s3 =	sld [smem:$0x3FFC];
	_ =	sdelay $0x3  }
0x94: {  	_ =	strace s3  }
0x95: {  	s3 =	sld [smem:$0x3FFD];
	_ =	sdelay $0x3  }
0x96: {  	_ =	strace s3  }
0x97: {  	_ =	strace $0x8FFFFFFF  }
0x98: {  	s19 =	sld [smem:$0x3FDB];
	_ =	sdelay $0x1  }
0x99: {  	s4 =	simm.s32 $_scs_section_size  }
0x9a: {  	s5 =	simm.s32 $_size__tile_overlayer_lowered;
	s6 =	simm.s32 $_tile_overlayer_lowered  }
0x9b: {  	s22 =	simm.s32 $0x1BFF;
	s21 =	sshll.u32 s6, $0x1;
	s3 =	sadd.s32 s4, s19  }
0x9c: {  	s7 =	simm.s32 $0x0;
	s20 =	sshll.u32 s5, $0x1;
	s5 =	sadd.s32 s21, s3  }
0x9d: {  	[timem:s7], [sflag:s22] =	dma.local [hbm:s5], s20  }
0x9e: {  	_ =	swait.ge [sflag:s22], s20  }
0x9f: {  	s4 =	ssub.s32 $0x0, s20;
	[sflag:s22] =	ssyncset.done $0x0  }
0xa0: {  	[sflag:s22] =	ssyncadd.s32 s4;
	_ =	sdelay $0x1  }
0xa1: {  	s23 =	simm.s32 $0x1B8B  }
0xa2: {  	_ =	swait.ge [sflag:s23], $0x1  }
0xa3: {  	[sflag:s23] =	ssyncset.done $0x0  }
0xa4: {  	s25 =	simm.s32 $0x1B8E;
	s24 =	sld [smem:$0x3FFE];
	[sflag:s23] =	ssyncadd.s32 $0xFFFFFFFF  }
0xa5: {  	s26 =	simm.s32 $execute0_lowered;
	[smem:$0x3FD2] =	sst s25  }
0xa6: {  	s5 =	sshll.u32 s26, $0x1;
	_ =	strace $0x80000046;
	[dreg:$0x1] =	wrdreg $0xFFFFFFFF  }
0xa7: {  	s28 =	simm.s32 $_size_execute0_lowered;
	s3 =	sadd.s32 s3, s5;
	[dreg:$0x0] =	wrdreg $0x0  }
0xa8: {  	s5 =	sshll.u32 s28, $0x1;
	[dreg:$0x2] =	wrdreg s3  }
0xa9: {  	[dreg:$0x3] =	wrdreg s5  }
0xaa: {  	[dreg:$0x4] =	wrdreg $0xC0  }
0xab: {  	_ =	task [dreg:s7], $0x5FFFF  }
0xac: {  	[dreg:$0x1] =	wrdreg $0xFFFFFFFF  }
0xad: {  	[dreg:$0x0] =	wrdreg $0x60  }
0xae: {  	[dreg:$0x2] =	wrdreg s24  }
0xaf: {  	[dreg:$0x3] =	wrdreg s2  }
0xb0: {  	[dreg:$0x4] =	wrdreg $0x9  }
0xb1: {  	_ =	task.clear_ibuf [dreg:s7], $0x5FFFF;
	_ =	strace $0x90000046  }
0xb2: {  	s29 =	simm.s32 $0x9;
	_ =	strace $0x80000048  }
0xb3: {  	_ =	swait.ge [sflag:s29], $0x1  }
0xb4: {  	[sflag:s29] =	ssyncadd.s32 $0xFFFFFFFF  }
0xb5: {  	_ =	strace $0x90000048  }
0xb6: {  	_ =	sfence  }
0xb7: {  	s30 =	sld [smem:$0x0];
	_ =	sdelay $0x2  }
0xb8: {  	s31 =	sshll.u32 s1, $0xD;
	s1 =	sshrl.u32 s1, $0x2  }
0xb9: {  	s3 =	sand.u32 $0x4000, s31;
	s1 =	sadd.s32 s1, s30  }
0xba: {  	s0 =	sor.u32 s3, s0;
	s1 =	sshll.u32 s1, $0x11  }
0xbb: {  	s0 =	sor.u32 s1, s0  }
0xbc: {  	s0 =	sadd.s32 $0x8F2B, s0  }
0xbd: {  	[sflag:s0] =	ssyncadd.remote.s32 $0x1  }
0xbe: {  	_ =	sfence.sel $0xFFFF  }
0xbf: {  	[dreg:$0x0] =	wrdreg $0xFFFFFFFF;
	(pc) =	sbr.abs _section_cstart, $3  }
0xc0: {  	[dreg:$0x1] =	wrdreg $0xFFFFFFFF  }
0xc1: {  	_ =	task.clear_ibuf [dreg:s7], $0x2FFFF;
	_ =	strace $0x9FFFFFFF  }
0xc2: {  	(tm) =	ssettm $0x7FFFFFFF  }
0xc3: {  	_ =	shalt  }
tec
execute0_lowered:
.L_overlay_start_1:
0x0: {  	(tag) =	ssettag $0x1  }
0x1: {  	s0 =	rddreg [dreg:$0x0];
	s2 =	srdreg.scid  }
0x2: {  	s1 =	rddreg [dreg:$0x1];
	s5 =	sand.u32 $0x1, s2;
	s2 =	simm.s32 $0x0  }
0x3: {  	s10 =	simm.s32 $0x1800;
	[smem:$0x7FF] =	sst s2  }
0x4: {  	s11 =	simm.s32 $0x2000;
	_ =	strace $0x80000047;
	[dreg:$0x5] =	wrdreg s10  }
0x5: {  	s7 =	stileid.u32;
	s12 =	simm.s32 $0x2800;
	[dreg:$0x6] =	wrdreg s11  }
0x6: {  	s13 =	simm.s32 $0x3000;
	s14 =	simm.s32 $0x3800;
	[dreg:$0x7] =	wrdreg s12  }
0x7: {  	s16 =	simm.s32 $0x4000;
	s17 =	simm.s32 $0x4800;
	[dreg:$0x8] =	wrdreg s13  }
0x8: {  	s18 =	simm.s32 $0x5000;
	s19 =	simm.s32 $0x5800;
	[dreg:$0x9] =	wrdreg s14  }
0x9: {  	s20 =	simm.s32 $0x6000;
	s21 =	simm.s32 $0x6800;
	[dreg:$0xa] =	wrdreg s16  }
0xa: {  	s22 =	simm.s32 $0x7000;
	s23 =	simm.s32 $0x7800;
	[dreg:$0xb] =	wrdreg s17  }
0xb: {  	s24 =	simm.s32 $0x8000;
	s25 =	simm.s32 $0x8800;
	[dreg:$0xc] =	wrdreg s18  }
0xc: {  	s26 =	simm.s32 $0x9800;
	s31 =	simm.s32 $0xA000;
	[dreg:$0xd] =	wrdreg s19  }
0xd: {  	s28 =	simm.s32 $0x1;
	s29 =	simm.s32 $0x2;
	[dreg:$0xe] =	wrdreg s20  }
0xe: {  	s30 =	simm.s32 $0x0;
	s3 =	sshll.u32 s7, $0x12;
	[dreg:$0xf] =	wrdreg s21  }
0xf: {  	s7 =	sshll.u32 s7, $0xC;
	s3 =	sadd.s32 s3, s0;
	[dreg:$0x10] =	wrdreg s22  }
0x10: {  	s4 =	sshll.u32 s5, $0x11;
	s8 =	sshll.u32 s5, $0xB;
	[dreg:$0x11] =	wrdreg s23  }
0x11: {  	s5 =	ssub.s32 $0x2, s5;
	s4 =	sadd.s32 s4, s3;
	[dreg:$0x12] =	wrdreg s24  }
0x12: {  	s3 =	sadd.s32 $0x45400, s0;
	s7 =	sor.u32 s8, s7;
	[dreg:$0x13] =	wrdreg s25  }
0x13: {  	s8 =	sadd.s32 $0x5500, s0;
	s10 =	simm.s32 $0x3;
	[dreg:$0x14] =	wrdreg s26  }
0x14: {  	s12 =	simm.s32 $0x1000;
	s13 =	simm.s32 $0x9000;
	[dreg:$0x15] =	wrdreg s31  }
0x15: {  	s14 =	simm.s32 $0xA800;
	s16 =	simm.s32 $0xB800;
	s17 =	simm.s32 $0xC000  }
0x16: {  	s18 =	simm.s32 $0xC800;
	s19 =	simm.s32 $0xD000;
	s20 =	simm.s32 $0xD800  }
0x17: {  	s21 =	simm.s32 $0xE000;
	s22 =	simm.s32 $0xE800;
	s23 =	simm.s32 $0xF000  }
0x18: {  	s24 =	simm.s32 $0xF800;
	s25 =	simm.s32 $0x10000;
	s6 =	sadd.s32 $0x85400, s4  }
0x19: {  	s26 =	simm.s32 $0x10800;
	s9 =	sadd.s32 $0x485400, s4;
	[dreg:$0x3] =	wrdreg s6  }
0x1a: {  	s4 =	sadd.s32 $0x5400, s0;
	s7 =	sshrl.u32 s7, $0x3;
	[dreg:$0x4] =	wrdreg s9  }
0x1b: {  	v2 =	vlaneseq.u32;
	s15 =	sadd.s32 s7, s0;
	s9 =	sshrl.u32 s5, $0x1;
	s1 =	sadd.s32 s1, s7  }
0x1c: {  	vm0 =	vmmov $0xffff;
	v1 =	vshrl.u32 v2, $0x3;
	s7 =	sadd.s32 $0x45500, s0;
	s9 =	ssub.s32 s5, s9;
	[dreg:$0x16] =	wrdreg s1  }
0x1d: {  	v0 =	vand.u32 $0x7, v2;
	v2 =	vor.u32 $0x8, v2;
	v1 =	vmul.u32 $0x8, v1;
	s6 =	sadd.s32 $0x3400, s15;
	s15 =	simm.s32 $0xB000;
	s9 =	smax.u32 s9, $0x1  }
.LBB2_1:
0x1e: {  	s0 =	rddreg [dreg:$0x16]  }
0x1f: {  	[tilespmem:s2], [sflag:$0x3] =	stream.linear.gather [hbm4b:s0+s2], $0x800, $0x38;
	[tilespmem:$0x11000] =	vst v63  }
0x20: {  	_ =	swait.ge [sflag:s10], $0x800  }
0x21: {  	[sflag:s10] =	ssyncset.done $0x0  }
0x22: {  	s11 =	simm.s32 $0x800;
	[sflag:s10] =	ssyncadd.s32 $0xFFFFF800  }
0x23: {  	[tilespmem:s11], [sflag:$0x3] =	stream.linear.gather [hbm4b:s6+s2], $0x800, $0x38;
	[tilespmem:$0x11000] =	vst v63  }
0x24: {  	_ =	swait.ge [sflag:s10], $0x800  }
0x25: {  	s31 =	simm.s32 $0x820;
	[sflag:s10] =	ssyncset.done $0x0  }
0x26: {  	s1 =	simm.s32 $0x0;
	s0 =	simm.s32 $0x20;
	[sflag:s10] =	ssyncadd.s32 $0xFFFFF800  }
.LBB2_2:
0x27: {  	v3 =	vld [tilespmem:s0+$0xFFFFFFE0];
	_ =	sdelay $0x4  }
0x28: {  	v4 =	vshll.u32 v3, $0x2  }
0x29: {  	v3 =	vand.u32 $0x7, v3;
	v4 =	vand.u32 $0xFFFFFFE0, v4  }
0x2a: {  	v3 =	vor.u32 v3, v4  }
0x2b: {  	v4 =	vperm.xlane v3, v0;
	_ =	sdelay $0x1  }
0x2c: {  	v4 =	vadd.s32 v1, v4;
	_ =	sdelay $0x1  }
0x2d: {  	v3 =	vperm.xlane v3, v2;
	_ =	sdelay $0x1  }
0x2e: {  	v3 =	vadd.s32 v1, v3  }
0x2f: {  	[tilespmem:s12], [sflag:$0x1] =	stream.indirect_vreg.gather [hbm4b:s3+s2], $0x80, v4, vm0, $0xb8;
	[tilespmem:$0x11000] =	vst v63  }
0x30: {  	s11 =	rddreg [dreg:$0x5]  }
0x31: {  	[tilespmem:s11], [sflag:$0x1] =	stream.indirect_vreg.gather [hbm4b:s7+s2], $0x80, v4, vm0, $0xb8;
	[tilespmem:$0x11000] =	vst v63  }
0x32: {  	s5 =	rddreg [dreg:$0x6]  }
0x33: {  	[tilespmem:s5], [sflag:$0x1] =	stream.indirect_vreg.gather [hbm4b:s3+s2], $0x80, v3, vm0, $0xb8;
	[tilespmem:$0x11000] =	vst v63  }
0x34: {  	s11 =	rddreg [dreg:$0x7]  }
0x35: {  	[tilespmem:s11], [sflag:$0x1] =	stream.indirect_vreg.gather [hbm4b:s7+s2], $0x80, v3, vm0, $0xb8;
	[tilespmem:$0x11000] =	vst v63  }
0x36: {  	v3 =	vld [tilespmem:s0+$0xFFFFFFF0];
	_ =	sdelay $0x4  }
0x37: {  	v57 =	vshll.u32 v3, $0x2  }
0x38: {  	v3 =	vand.u32 $0x7, v3;
	v4 =	vand.u32 $0xFFFFFFE0, v57  }
0x39: {  	v3 =	vor.u32 v3, v4  }
0x3a: {  	v4 =	vperm.xlane v3, v0;
	_ =	sdelay $0x1  }
0x3b: {  	v4 =	vadd.s32 v1, v4;
	_ =	sdelay $0x1  }
0x3c: {  	v3 =	vperm.xlane v3, v2;
	_ =	sdelay $0x1  }
0x3d: {  	s5 =	rddreg [dreg:$0x8];
	v3 =	vadd.s32 v1, v3  }
0x3e: {  	[tilespmem:s5], [sflag:$0x1] =	stream.indirect_vreg.gather [hbm4b:s3+s2], $0x80, v4, vm0, $0xb8;
	[tilespmem:$0x11000] =	vst v63  }
0x3f: {  	s11 =	rddreg [dreg:$0x9]  }
0x40: {  	[tilespmem:s11], [sflag:$0x1] =	stream.indirect_vreg.gather [hbm4b:s7+s2], $0x80, v4, vm0, $0xb8;
	[tilespmem:$0x11000] =	vst v63  }
0x41: {  	s5 =	rddreg [dreg:$0xa]  }
0x42: {  	[tilespmem:s5], [sflag:$0x1] =	stream.indirect_vreg.gather [hbm4b:s3+s2], $0x80, v3, vm0, $0xb8;
	[tilespmem:$0x11000] =	vst v63  }
0x43: {  	s11 =	rddreg [dreg:$0xb]  }
0x44: {  	[tilespmem:s11], [sflag:$0x1] =	stream.indirect_vreg.gather [hbm4b:s7+s2], $0x80, v3, vm0, $0xb8;
	[tilespmem:$0x11000] =	vst v63  }
0x45: {  	v3 =	vld [tilespmem:s0+$0x0];
	_ =	sdelay $0x4  }
0x46: {  	v58 =	vshll.u32 v3, $0x2  }
0x47: {  	v3 =	vand.u32 $0x7, v3;
	v4 =	vand.u32 $0xFFFFFFE0, v58  }
0x48: {  	v3 =	vor.u32 v3, v4  }
0x49: {  	v4 =	vperm.xlane v3, v0;
	_ =	sdelay $0x1  }
0x4a: {  	v4 =	vadd.s32 v1, v4;
	_ =	sdelay $0x1  }
0x4b: {  	v3 =	vperm.xlane v3, v2;
	_ =	sdelay $0x1  }
0x4c: {  	s5 =	rddreg [dreg:$0xc];
	v3 =	vadd.s32 v1, v3  }
0x4d: {  	[tilespmem:s5], [sflag:$0x1] =	stream.indirect_vreg.gather [hbm4b:s3+s2], $0x80, v4, vm0, $0xb8;
	[tilespmem:$0x11000] =	vst v63  }
0x4e: {  	s11 =	rddreg [dreg:$0xd]  }
0x4f: {  	[tilespmem:s11], [sflag:$0x1] =	stream.indirect_vreg.gather [hbm4b:s7+s2], $0x80, v4, vm0, $0xb8;
	[tilespmem:$0x11000] =	vst v63  }
0x50: {  	s5 =	rddreg [dreg:$0xe]  }
0x51: {  	[tilespmem:s5], [sflag:$0x1] =	stream.indirect_vreg.gather [hbm4b:s3+s2], $0x80, v3, vm0, $0xb8;
	[tilespmem:$0x11000] =	vst v63  }
0x52: {  	s11 =	rddreg [dreg:$0xf]  }
0x53: {  	[tilespmem:s11], [sflag:$0x1] =	stream.indirect_vreg.gather [hbm4b:s7+s2], $0x80, v3, vm0, $0xb8;
	[tilespmem:$0x11000] =	vst v63  }
0x54: {  	v3 =	vld [tilespmem:s0+$0x10];
	_ =	sdelay $0x4  }
0x55: {  	v59 =	vshll.u32 v3, $0x2  }
0x56: {  	v3 =	vand.u32 $0x7, v3;
	v4 =	vand.u32 $0xFFFFFFE0, v59  }
0x57: {  	v3 =	vor.u32 v3, v4  }
0x58: {  	v4 =	vperm.xlane v3, v0;
	_ =	sdelay $0x1  }
0x59: {  	v4 =	vadd.s32 v1, v4;
	_ =	sdelay $0x1  }
0x5a: {  	v3 =	vperm.xlane v3, v2;
	_ =	sdelay $0x1  }
0x5b: {  	s5 =	rddreg [dreg:$0x10];
	v3 =	vadd.s32 v1, v3  }
0x5c: {  	[tilespmem:s5], [sflag:$0x1] =	stream.indirect_vreg.gather [hbm4b:s3+s2], $0x80, v4, vm0, $0xb8;
	[tilespmem:$0x11000] =	vst v63  }
0x5d: {  	s11 =	rddreg [dreg:$0x11]  }
0x5e: {  	[tilespmem:s11], [sflag:$0x1] =	stream.indirect_vreg.gather [hbm4b:s7+s2], $0x80, v4, vm0, $0xb8;
	[tilespmem:$0x11000] =	vst v63  }
0x5f: {  	s5 =	rddreg [dreg:$0x12]  }
0x60: {  	[tilespmem:s5], [sflag:$0x1] =	stream.indirect_vreg.gather [hbm4b:s3+s2], $0x80, v3, vm0, $0xb8;
	[tilespmem:$0x11000] =	vst v63  }
0x61: {  	s11 =	rddreg [dreg:$0x13]  }
0x62: {  	[tilespmem:s11], [sflag:$0x1] =	stream.indirect_vreg.gather [hbm4b:s7+s2], $0x80, v3, vm0, $0xb8;
	[tilespmem:$0x11000] =	vst v63  }
0x63: {  	v3 =	vld [tilespmem:s31+$0xFFFFFFE0];
	_ =	sdelay $0x4  }
0x64: {  	v60 =	vshll.u32 v3, $0x2  }
0x65: {  	v3 =	vand.u32 $0x7, v3;
	v4 =	vand.u32 $0xFFFFFFE0, v60  }
0x66: {  	v3 =	vor.u32 v3, v4  }
0x67: {  	v4 =	vperm.xlane v3, v0;
	_ =	sdelay $0x1  }
0x68: {  	v4 =	vadd.s32 v1, v4;
	_ =	sdelay $0x1  }
0x69: {  	v3 =	vperm.xlane v3, v2;
	_ =	sdelay $0x1  }
0x6a: {  	v3 =	vadd.s32 v1, v3  }
0x6b: {  	[tilespmem:s13], [sflag:$0x2] =	stream.indirect_vreg.gather [hbm4b:s4+s2], $0x80, v4, vm0, $0xb8;
	[tilespmem:$0x11000] =	vst v63  }
0x6c: {  	s5 =	rddreg [dreg:$0x14]  }
0x6d: {  	[tilespmem:s5], [sflag:$0x2] =	stream.indirect_vreg.gather [hbm4b:s8+s2], $0x80, v4, vm0, $0xb8;
	[tilespmem:$0x11000] =	vst v63  }
0x6e: {  	s11 =	rddreg [dreg:$0x15]  }
0x6f: {  	[tilespmem:s11], [sflag:$0x2] =	stream.indirect_vreg.gather [hbm4b:s4+s2], $0x80, v3, vm0, $0xb8;
	[tilespmem:$0x11000] =	vst v63  }
0x70: {  	_ = 	snop  }
0x71: {  	[tilespmem:s14], [sflag:$0x2] =	stream.indirect_vreg.gather [hbm4b:s8+s2], $0x80, v3, vm0, $0xb8;
	[tilespmem:$0x11000] =	vst v63  }
0x72: {  	v3 =	vld [tilespmem:s31+$0xFFFFFFF0];
	_ =	sdelay $0x4  }
0x73: {  	v61 =	vshll.u32 v3, $0x2  }
0x74: {  	v3 =	vand.u32 $0x7, v3;
	v4 =	vand.u32 $0xFFFFFFE0, v61  }
0x75: {  	v3 =	vor.u32 v3, v4  }
0x76: {  	v4 =	vperm.xlane v3, v0;
	_ =	sdelay $0x1  }
0x77: {  	v4 =	vadd.s32 v1, v4;
	_ =	sdelay $0x1  }
0x78: {  	v3 =	vperm.xlane v3, v2;
	_ =	sdelay $0x1  }
0x79: {  	v3 =	vadd.s32 v1, v3  }
0x7a: {  	[tilespmem:s15], [sflag:$0x2] =	stream.indirect_vreg.gather [hbm4b:s4+s2], $0x80, v4, vm0, $0xb8;
	[tilespmem:$0x11000] =	vst v63  }
0x7b: {  	_ = 	snop  }
0x7c: {  	[tilespmem:s16], [sflag:$0x2] =	stream.indirect_vreg.gather [hbm4b:s8+s2], $0x80, v4, vm0, $0xb8;
	[tilespmem:$0x11000] =	vst v63  }
0x7d: {  	_ = 	snop  }
0x7e: {  	[tilespmem:s17], [sflag:$0x2] =	stream.indirect_vreg.gather [hbm4b:s4+s2], $0x80, v3, vm0, $0xb8;
	[tilespmem:$0x11000] =	vst v63  }
0x7f: {  	_ = 	snop  }
0x80: {  	[tilespmem:s18], [sflag:$0x2] =	stream.indirect_vreg.gather [hbm4b:s8+s2], $0x80, v3, vm0, $0xb8;
	[tilespmem:$0x11000] =	vst v63  }
0x81: {  	v3 =	vld [tilespmem:s31+$0x0];
	_ =	sdelay $0x4  }
0x82: {  	v62 =	vshll.u32 v3, $0x2  }
0x83: {  	v3 =	vand.u32 $0x7, v3;
	v4 =	vand.u32 $0xFFFFFFE0, v62  }
0x84: {  	v3 =	vor.u32 v3, v4  }
0x85: {  	v4 =	vperm.xlane v3, v0;
	_ =	sdelay $0x1  }
0x86: {  	v4 =	vadd.s32 v1, v4;
	_ =	sdelay $0x1  }
0x87: {  	v3 =	vperm.xlane v3, v2;
	_ =	sdelay $0x1  }
0x88: {  	v3 =	vadd.s32 v1, v3  }
0x89: {  	[tilespmem:s19], [sflag:$0x2] =	stream.indirect_vreg.gather [hbm4b:s4+s2], $0x80, v4, vm0, $0xb8;
	[tilespmem:$0x11000] =	vst v63  }
0x8a: {  	_ = 	snop  }
0x8b: {  	[tilespmem:s20], [sflag:$0x2] =	stream.indirect_vreg.gather [hbm4b:s8+s2], $0x80, v4, vm0, $0xb8;
	[tilespmem:$0x11000] =	vst v63  }
0x8c: {  	_ = 	snop  }
0x8d: {  	[tilespmem:s21], [sflag:$0x2] =	stream.indirect_vreg.gather [hbm4b:s4+s2], $0x80, v3, vm0, $0xb8;
	[tilespmem:$0x11000] =	vst v63  }
0x8e: {  	_ = 	snop  }
0x8f: {  	[tilespmem:s22], [sflag:$0x2] =	stream.indirect_vreg.gather [hbm4b:s8+s2], $0x80, v3, vm0, $0xb8;
	[tilespmem:$0x11000] =	vst v63  }
0x90: {  	v3 =	vld [tilespmem:s31+$0x10];
	_ =	sdelay $0x4  }
0x91: {  	v63 =	vshll.u32 v3, $0x2  }
0x92: {  	v3 =	vand.u32 $0x7, v3;
	v4 =	vand.u32 $0xFFFFFFE0, v63  }
0x93: {  	v3 =	vor.u32 v3, v4  }
0x94: {  	v4 =	vperm.xlane v3, v0;
	_ =	sdelay $0x1  }
0x95: {  	v4 =	vadd.s32 v1, v4;
	_ =	sdelay $0x1  }
0x96: {  	v3 =	vperm.xlane v3, v2;
	_ =	sdelay $0x1  }
0x97: {  	v3 =	vadd.s32 v1, v3  }
0x98: {  	[tilespmem:s23], [sflag:$0x2] =	stream.indirect_vreg.gather [hbm4b:s4+s2], $0x80, v4, vm0, $0xb8;
	[tilespmem:$0x11000] =	vst v63  }
0x99: {  	_ = 	snop  }
0x9a: {  	[tilespmem:s24], [sflag:$0x2] =	stream.indirect_vreg.gather [hbm4b:s8+s2], $0x80, v4, vm0, $0xb8;
	[tilespmem:$0x11000] =	vst v63  }
0x9b: {  	_ = 	snop  }
0x9c: {  	[tilespmem:s25], [sflag:$0x2] =	stream.indirect_vreg.gather [hbm4b:s4+s2], $0x80, v3, vm0, $0xb8;
	[tilespmem:$0x11000] =	vst v63  }
0x9d: {  	_ = 	snop  }
0x9e: {  	[tilespmem:s26], [sflag:$0x2] =	stream.indirect_vreg.gather [hbm4b:s8+s2], $0x80, v3, vm0, $0xb8;
	[tilespmem:$0x11000] =	vst v63  }
0x9f: {  	_ =	swait.ge [sflag:s28], $0x8000  }
0xa0: {  	s11 =	rddreg [dreg:$0x3];
	[sflag:s28] =	ssyncset.done $0x0  }
0xa1: {  	[sflag:s28] =	ssyncadd.s32 $0xFFFF8000;
	s5 =	sadd.s32 s1, s11  }
0xa2: {  	[hbm4b:s5+s2] =	stream.linear.scatter [tilespmem:s12], [sflag:$0x3], $0x8000, $0x38;
	[tilespmem:$0x11000] =	vst v63  }
0xa3: {  	_ =	swait.ge [sflag:s10], $0x8000  }
0xa4: {  	[sflag:s10] =	ssyncset.done $0x0  }
0xa5: {  	[sflag:s10] =	ssyncadd.s32 $0xFFFF8000  }
0xa6: {  	_ =	swait.ge [sflag:s29], $0x8000  }
0xa7: {  	p0 =	sne.s32 s1, $0x1F000;
	s11 =	rddreg [dreg:$0x4];
	[sflag:s29] =	ssyncset.done $0x0  }
.Ltmp0:
0xa8: {  	[sflag:s29] =	ssyncadd.s32 $0xFFFF8000;
	s5 =	sadd.s32 s1, s11;
	(pc) =	sbr.rel @p0 .LBB2_2-.Ltmp0, $4  }
0xa9: {  	[hbm4b:s5+s2] =	stream.linear.scatter [tilespmem:s13], [sflag:$0x3], $0x8000, $0x38;
	[tilespmem:$0x11000] =	vst v63  }
0xaa: {  	_ =	swait.ge [sflag:s10], $0x8000  }
0xab: {  	s0 =	sadd.s32 $0x40, s0;
	[sflag:s10] =	ssyncset.done $0x0  }
0xac: {  	s31 =	sadd.s32 $0x40, s31;
	s1 =	sadd.s32 $0x1000, s1;
	[sflag:s10] =	ssyncadd.s32 $0xFFFF8000  }
0xad: {  	s30 =	sadd.s32 $0x1, s30  }
0xae: {  	p0 =	sne.s32 s30, s9  }
.Ltmp1:
0xaf: {  	_ = 	snop;
	(pc) =	sbr.rel @p0 .LBB2_1-.Ltmp1, $1  }
0xb0: {  	_ =	sdelay $0x3  }
0xb1: {  	_ =	sfence.sel $0x180000  }
0xb2: {  	[bflag:$0x0] =	sbarrier.arrive $0xFFFF  }
0xb3: {  	_ =	strace $0x90000047  }
0xb4: {  	s0 =	stileid.u32;
	[bflag:$0x2] =	sbarrier.arrive $0xFFFF  }
0xb5: {  	p0 =	sne.s32 s0, $0x0;
	s0 =	rddreg [dreg:$0x2]  }
0xb6: {  	s0 =	sadd.s32 @!p0 $0x100000, s0  }
0xb7: {  	[sflag:s0] =	ssyncadd.tile.s32 @!p0 $0x1;
	_ =	shalt  }
.Lfunc_end2:
_tile_overlayer_lowered:
.L_overlay_start_2:
0xb8: {  	(tag) =	ssettag $0x2  }
0xb9: {  	s0 =	rddreg [dreg:$0x0];
	s2 =	stileid.u32  }
0xba: {  	s1 =	rddreg [dreg:$0x1];
	p0 =	sne.s32 s2, $0x0  }
0xbb: {  	s3 =	rddreg [dreg:$0x2];
	[bflag:$0x3] =	sbarrier.arrive $0xFFFF;
	s2 =	simm.s32 @!p0 $0x1C03  }
0xbc: {  	[timem:s3], [sflag:s2] =	dma.local @!p0 [hbm:s0], s1  }
0xbd: {  	s0 =	simm.s32 @!p0 $0x3  }
0xbe: {  	_ =	swait.ge @!p0 [sflag:s0], s1  }
0xbf: {  	s1 =	ssub.s32 @!p0 $0x0, s1;
	[sflag:s0] =	ssyncset.done @!p0 $0x0  }
0xc0: {  	[sflag:s0] =	ssyncadd.s32 @!p0 s1  }
0xc1: {  	[bflag:$0x3] =	sbarrier.arrive $0xFFFF  }
0xc2: {  	_ =	shalt  }

</sc_bundles>
